<compile_context>
chip_gen: v7x
topology: tpu7x:2x2x1
jax: 0.10.2.dev20260603
libtpu: 0.0.44.dev20260713+nightly
codegen_flags: <defaults>
</compile_context>

<pallas_src>
import functools

import jax
import jax.numpy as jnp
from jax import lax
from jax.experimental import pallas as pl
from jax.experimental.pallas import tpu as pltpu
from jax.experimental.pallas import tpu_sc as plsc

_V = 1_000_000
_D = 32
_B = 16384
_L = 50
_FLAT = _B * _L

_NW = 32
_PERW = _FLAT // _NW
_CH = 640
_NCH = _PERW // _CH
_NBUF = 4
_NGRP = _NCH // _NBUF


@functools.cache
def _build_gather():
    mesh = plsc.VectorSubcoreMesh(core_axis_name="c", subcore_axis_name="s")

    @functools.partial(
        pl.kernel,
        mesh=mesh,
        compiler_params=pltpu.CompilerParams(use_tc_tiling_on_sc=False),
        out_type=jax.ShapeDtypeStruct((_FLAT, 4 * _D), jnp.float32),
        scratch_types=[
            pltpu.VMEM((_PERW,), jnp.int32),
            [pltpu.VMEM((_CH, _D), jnp.float32) for _ in range(_NBUF)],
            [pltpu.SemaphoreType.DMA for _ in range(_NBUF)],
        ],
    )
    def _gather(tab_hbm, idx_hbm, out_hbm, idx_v, rows, sems):
        wid = lax.axis_index("s") * 2 + lax.axis_index("c")
        base = wid * _PERW
        pltpu.sync_copy(idx_hbm.at[pl.ds(base, _PERW)], idx_v)
        for j in range(_NBUF):
            pltpu.async_copy(
                tab_hbm.at[idx_v.at[pl.ds(j * _CH, _CH)]], rows[j], sems[j]
            )

        def outer(g, carry):
            for j in range(_NBUF):
                c = g * _NBUF + j
                pltpu.make_async_copy(
                    tab_hbm.at[idx_v.at[pl.ds(0, _CH)]], rows[j], sems[j]
                ).wait()
                pltpu.sync_copy(
                    rows[j],
                    out_hbm.at[pl.ds(base + c * _CH, _CH), pl.ds(0, _D)],
                )
                nc = c + _NBUF

                @pl.when(nc < _NCH)
                def _():
                    pltpu.async_copy(
                        tab_hbm.at[idx_v.at[pl.ds(nc * _CH, _CH)]],
                        rows[j],
                        sems[j],
                    )
            return carry

        lax.fori_loop(0, _NGRP, outer, 0)

    return _gather


_BB = 128


def _decode_body(r_ref, wf_ref, b_ref, o_ref):
    x = r_ref[...]
    lane = lax.broadcasted_iota(jnp.int32, x.shape, 1)
    xm = jnp.where(lane < _D, x, 0.0)
    y = (
        jnp.dot(xm, wf_ref[...], preferred_element_type=jnp.float32)
        + b_ref[...]
    )
    o_ref[...] = y.reshape(_BB, _L, _D)


def _decode(wide, Wfat, b2d):
    return pl.pallas_call(
        _decode_body,
        grid=(_B // _BB,),
        in_specs=[
            pl.BlockSpec((_BB * _L, 4 * _D), lambda i: (i, 0)),
            pl.BlockSpec((4 * _D, _D), lambda i: (0, 0)),
            pl.BlockSpec((1, _D), lambda i: (0, 0)),
        ],
        out_specs=pl.BlockSpec((_BB, _L, _D), lambda i: (i, 0, 0)),
        out_shape=jax.ShapeDtypeStruct((_B, _L, _D), jnp.float32),
    )(wide, Wfat, b2d)


def kernel(idx, table, W, b):
    wide = _build_gather()(table, idx.reshape(-1))
    Wfat = jnp.concatenate(
        [W.T, jnp.zeros((3 * _D, _D), jnp.float32)], axis=0
    )
    return _decode(wide, Wfat, b.reshape(1, _D))

# --- scband reference (transcript-rebuilt; emitter-appended) ---
"""Pipeline reference for scband-twin-embeddings-26594437497027 (READ-ONLY COPY).

The authoritative reference and input builder live on the scoring server;
editing this copy changes nothing except your own understanding.
"""

import jax, jax.numpy as jnp
import numpy as np

NUM_EMBEDDINGS = 1000000
EMBEDDING_DIM = 32
OUT_DIM = 32
BATCH = 16384
HIST = 50


def setup_inputs(seed: int = 0) -> dict:
    key = jax.random.key(seed)
    k_idx, k_tab, k_w, k_b = jax.random.split(key, 4)
    idx = jax.random.randint(k_idx, (BATCH, HIST), 0, NUM_EMBEDDINGS, dtype=jnp.int64 if jax.config.jax_enable_x64 else jnp.int32).astype(jnp.int32)
    # embedding table (nn.Embedding default init: N(0,1))
    table = jax.random.normal(k_tab, (NUM_EMBEDDINGS, EMBEDDING_DIM), dtype=jnp.float32)
    # linear layer params (kaiming-uniform-ish bound as in torch Linear)
    bound = 1.0 / np.sqrt(EMBEDDING_DIM)
    W = jax.random.uniform(k_w, (OUT_DIM, EMBEDDING_DIM), minval=-bound, maxval=bound, dtype=jnp.float32)
    b = jax.random.uniform(k_b, (OUT_DIM,), minval=-bound, maxval=bound, dtype=jnp.float32)
    return {"idx": idx, "table": table, "W": W, "b": b}


def reference(idx, table, W, b):
    # forward: self.decoder(self.embeddings(idx))
    emb = jnp.take(table, idx, axis=0)          # [B, L, embedding_dim] gather
    out = jnp.einsum('bld,od->blo', emb, W) + b  # Linear: emb @ W.T + b
    return out

if __name__ == "__main__":
    import jax
    _d = setup_inputs()
    print(jax.jit(kernel)(*tuple(_d.values())))

</pallas_src>

<mosaic_0001>
#map = affine_map<(d0, d1) -> (0, 0)>
#map1 = affine_map<(d0, d1) -> (0)>
module attributes {stable_mosaic.version = 14 : i64} {
  func.func @_gather(%arg0: i32, %arg1: i32, %arg2: memref<1000000x32xf32, #tpu.memory_space<hbm>>, %arg3: memref<819200xi32, #tpu.memory_space<hbm>>, %arg4: memref<819200x128xf32, #tpu.memory_space<hbm>>, %arg5: memref<25600xi32, #tpu.memory_space<vmem>>, %arg6: memref<640x32xf32, #tpu.memory_space<vmem>>, %arg7: memref<640x32xf32, #tpu.memory_space<vmem>>, %arg8: memref<640x32xf32, #tpu.memory_space<vmem>>, %arg9: memref<640x32xf32, #tpu.memory_space<vmem>>, %arg10: memref<!tpu.dma_semaphore, #tpu.memory_space<semaphore_mem>>, %arg11: memref<!tpu.dma_semaphore, #tpu.memory_space<semaphore_mem>>, %arg12: memref<!tpu.dma_semaphore, #tpu.memory_space<semaphore_mem>>, %arg13: memref<!tpu.dma_semaphore, #tpu.memory_space<semaphore_mem>>) attributes {dimension_semantics = [#tpu.dimension_semantics<core_parallel>, #tpu.dimension_semantics<subcore_parallel>], iteration_bounds = array<i64: 2, 16>, scalar_prefetch = 0 : i64, scratch_operands = 9 : i64, tpu.core_type = #tpu.core_type<sc_vector_subcore>, window_params = [{transform_indices = #map}, {transform_indices = #map1}, {transform_indices = #map}]} {
    %mul3A = arith.constant 2 : i32
    %mul3A_0 = arith.muli %arg1, %mul3A : i32
    %add3A = arith.addi %mul3A_0, %arg0 : i32
    %mul3A_1 = arith.constant 25600 : i32
    %mul3A_2 = arith.muli %add3A, %mul3A_1 : i32
    "tpu.region"() ({
      %run_scoped3A = tpu.sem_alloc : memref<!tpu.dma_semaphore, #tpu.memory_space<semaphore_mem>>
      %dma_start3A_27 = tpu.memref_slice %arg3[%mul3A_2] : memref<819200xi32, #tpu.memory_space<hbm>> -> memref<25600xi32, #tpu.memory_space<hbm>>
      %dma_start3A_28 = tpu.memref_slice %arg3[%mul3A_2] : memref<819200xi32, #tpu.memory_space<hbm>> -> memref<25600xi32, #tpu.memory_space<hbm>>
      tpu.enqueue_dma source(%dma_start3A_28 : memref<25600xi32, #tpu.memory_space<hbm>>) target(%arg5 : memref<25600xi32, #tpu.memory_space<vmem>>) target_semaphore(%run_scoped3A : memref<!tpu.dma_semaphore, #tpu.memory_space<semaphore_mem>>)
      %dma_wait3A = tpu.memref_slice %arg3[%mul3A_2] : memref<819200xi32, #tpu.memory_space<hbm>> -> memref<25600xi32, #tpu.memory_space<hbm>>
      %dma_wait3A_29 = tpu.memref_slice %arg3[%mul3A_2] : memref<819200xi32, #tpu.memory_space<hbm>> -> memref<25600xi32, #tpu.memory_space<hbm>>
      tpu.wait_dma2 semaphore(%run_scoped3A : memref<!tpu.dma_semaphore, #tpu.memory_space<semaphore_mem>>) src(%dma_wait3A_29 : memref<25600xi32, #tpu.memory_space<hbm>>) dst(%arg5 : memref<25600xi32, #tpu.memory_space<vmem>>)
      tpu.yield
    }) : () -> ()
    %dma_start3A = arith.constant 0 : i32
    %dma_start3A_3 = tpu.memref_slice %arg5[%dma_start3A] : memref<25600xi32, #tpu.memory_space<vmem>> -> memref<640xi32, #tpu.memory_space<vmem>>
    %dma_start3A_4 = arith.constant 0 : i32
    %dma_start3A_5 = arith.constant 0 : i32
    %dma_start3A_6 = tpu.memref_slice %arg2[%dma_start3A_4, %dma_start3A_5] : memref<1000000x32xf32, #tpu.memory_space<hbm>> -> memref<1000000x32xf32, #tpu.memory_space<hbm>>
    tpu.enqueue_indirect_dma source(%dma_start3A_6 : memref<1000000x32xf32, #tpu.memory_space<hbm>>) target(%arg6 : memref<640x32xf32, #tpu.memory_space<vmem>>) offsets(%dma_start3A_3 : memref<640xi32, #tpu.memory_space<vmem>>) semaphore(%arg10 : memref<!tpu.dma_semaphore, #tpu.memory_space<semaphore_mem>>)
    %dma_start3A_7 = arith.constant 640 : i32
    %dma_start3A_8 = tpu.memref_slice %arg5[%dma_start3A_7] : memref<25600xi32, #tpu.memory_space<vmem>> -> memref<640xi32, #tpu.memory_space<vmem>>
    %dma_start3A_9 = arith.constant 0 : i32
    %dma_start3A_10 = arith.constant 0 : i32
    %dma_start3A_11 = tpu.memref_slice %arg2[%dma_start3A_9, %dma_start3A_10] : memref<1000000x32xf32, #tpu.memory_space<hbm>> -> memref<1000000x32xf32, #tpu.memory_space<hbm>>
    tpu.enqueue_indirect_dma source(%dma_start3A_11 : memref<1000000x32xf32, #tpu.memory_space<hbm>>) target(%arg7 : memref<640x32xf32, #tpu.memory_space<vmem>>) offsets(%dma_start3A_8 : memref<640xi32, #tpu.memory_space<vmem>>) semaphore(%arg11 : memref<!tpu.dma_semaphore, #tpu.memory_space<semaphore_mem>>)
    %dma_start3A_12 = arith.constant 1280 : i32
    %dma_start3A_13 = tpu.memref_slice %arg5[%dma_start3A_12] : memref<25600xi32, #tpu.memory_space<vmem>> -> memref<640xi32, #tpu.memory_space<vmem>>
    %dma_start3A_14 = arith.constant 0 : i32
    %dma_start3A_15 = arith.constant 0 : i32
    %dma_start3A_16 = tpu.memref_slice %arg2[%dma_start3A_14, %dma_start3A_15] : memref<1000000x32xf32, #tpu.memory_space<hbm>> -> memref<1000000x32xf32, #tpu.memory_space<hbm>>
    tpu.enqueue_indirect_dma source(%dma_start3A_16 : memref<1000000x32xf32, #tpu.memory_space<hbm>>) target(%arg8 : memref<640x32xf32, #tpu.memory_space<vmem>>) offsets(%dma_start3A_13 : memref<640xi32, #tpu.memory_space<vmem>>) semaphore(%arg12 : memref<!tpu.dma_semaphore, #tpu.memory_space<semaphore_mem>>)
    %dma_start3A_17 = arith.constant 1920 : i32
    %dma_start3A_18 = tpu.memref_slice %arg5[%dma_start3A_17] : memref<25600xi32, #tpu.memory_space<vmem>> -> memref<640xi32, #tpu.memory_space<vmem>>
    %dma_start3A_19 = arith.constant 0 : i32
    %dma_start3A_20 = arith.constant 0 : i32
    %dma_start3A_21 = tpu.memref_slice %arg2[%dma_start3A_19, %dma_start3A_20] : memref<1000000x32xf32, #tpu.memory_space<hbm>> -> memref<1000000x32xf32, #tpu.memory_space<hbm>>
    tpu.enqueue_indirect_dma source(%dma_start3A_21 : memref<1000000x32xf32, #tpu.memory_space<hbm>>) target(%arg9 : memref<640x32xf32, #tpu.memory_space<vmem>>) offsets(%dma_start3A_18 : memref<640xi32, #tpu.memory_space<vmem>>) semaphore(%arg13 : memref<!tpu.dma_semaphore, #tpu.memory_space<semaphore_mem>>)
    %scan3A = arith.constant 0 : i32
    %scan3A_22 = arith.constant 0 : i32
    %scan3A_23 = arith.constant 10 : i32
    %scan3A_24 = arith.addi %scan3A_22, %scan3A_23 : i32
    %scan3A_25 = arith.constant 1 : i32
    scf.for %scan3A_27 = %scan3A_22 to %scan3A_24 step %scan3A_25  : i32 {
      %mul3A_28 = arith.constant 4 : i32
      %mul3A_29 = arith.muli %scan3A_27, %mul3A_28 : i32
      %add3A_30 = arith.constant 0 : i32
      %add3A_31 = arith.addi %mul3A_29, %add3A_30 : i32
      %dma_wait3A = arith.constant 0 : i32
      %dma_wait3A_32 = tpu.memref_slice %arg5[%dma_wait3A] : memref<25600xi32, #tpu.memory_space<vmem>> -> memref<640xi32, #tpu.memory_space<vmem>>
      %dma_wait3A_33 = arith.constant 0 : i32
      %dma_wait3A_34 = arith.constant 0 : i32
      %dma_wait3A_35 = tpu.memref_slice %arg2[%dma_wait3A_33, %dma_wait3A_34] : memref<1000000x32xf32, #tpu.memory_space<hbm>> -> memref<1000000x32xf32, #tpu.memory_space<hbm>>
      tpu.wait_indirect_dma semaphore(%arg10 : memref<!tpu.dma_semaphore, #tpu.memory_space<semaphore_mem>>) src(%dma_wait3A_35 : memref<1000000x32xf32, #tpu.memory_space<hbm>>) dst(%arg6 : memref<640x32xf32, #tpu.memory_space<vmem>>)
      %mul3A_36 = arith.constant 640 : i32
      %mul3A_37 = arith.muli %add3A_31, %mul3A_36 : i32
      %add3A_38 = arith.addi %mul3A_2, %mul3A_37 : i32
      "tpu.region"() ({
        %run_scoped3A = tpu.sem_alloc : memref<!tpu.dma_semaphore, #tpu.memory_space<semaphore_mem>>
        %dma_start3A_100 = arith.constant 0 : i32
        %dma_start3A_101 = tpu.memref_slice %arg4[%add3A_38, %dma_start3A_100] : memref<819200x128xf32, #tpu.memory_space<hbm>> -> memref<640x32xf32, #tpu.memory_space<hbm>>
        %dma_start3A_102 = arith.constant 0 : i32
        %dma_start3A_103 = tpu.memref_slice %arg4[%add3A_38, %dma_start3A_102] : memref<819200x128xf32, #tpu.memory_space<hbm>> -> memref<640x32xf32, #tpu.memory_space<hbm>>
        tpu.enqueue_dma source(%arg6 : memref<640x32xf32, #tpu.memory_space<vmem>>) target(%dma_start3A_103 : memref<640x32xf32, #tpu.memory_space<hbm>>) target_semaphore(%run_scoped3A : memref<!tpu.dma_semaphore, #tpu.memory_space<semaphore_mem>>)
        %dma_wait3A_104 = arith.constant 0 : i32
        %dma_wait3A_105 = tpu.memref_slice %arg4[%add3A_38, %dma_wait3A_104] : memref<819200x128xf32, #tpu.memory_space<hbm>> -> memref<640x32xf32, #tpu.memory_space<hbm>>
        %dma_wait3A_106 = arith.constant 0 : i32
        %dma_wait3A_107 = tpu.memref_slice %arg4[%add3A_38, %dma_wait3A_106] : memref<819200x128xf32, #tpu.memory_space<hbm>> -> memref<640x32xf32, #tpu.memory_space<hbm>>
        tpu.wait_dma2 semaphore(%run_scoped3A : memref<!tpu.dma_semaphore, #tpu.memory_space<semaphore_mem>>) src(%arg6 : memref<640x32xf32, #tpu.memory_space<vmem>>) dst(%dma_wait3A_107 : memref<640x32xf32, #tpu.memory_space<hbm>>)
        tpu.yield
      }) : () -> ()
      %add3A_39 = arith.constant 4 : i32
      %add3A_40 = arith.addi %add3A_31, %add3A_39 : i32
      %lt3A = arith.constant 40 : i32
      %lt3A_41 = arith.cmpi slt, %add3A_40, %lt3A : i32
      %convert_element_type3A = arith.extui %lt3A_41 : i1 to i32
      %cond3A = arith.constant 0 : i32
      %cond3A_42 = arith.cmpi ne, %convert_element_type3A, %cond3A : i32
      scf.if %cond3A_42 {
        %mul3A_100 = arith.constant 640 : i32
        %mul3A_101 = arith.muli %add3A_40, %mul3A_100 : i32
        %dma_start3A_102 = tpu.memref_slice %arg5[%mul3A_101] : memref<25600xi32, #tpu.memory_space<vmem>> -> memref<640xi32, #tpu.memory_space<vmem>>
        %dma_start3A_103 = arith.constant 0 : i32
        %dma_start3A_104 = arith.constant 0 : i32
        %dma_start3A_105 = tpu.memref_slice %arg2[%dma_start3A_103, %dma_start3A_104] : memref<1000000x32xf32, #tpu.memory_space<hbm>> -> memref<1000000x32xf32, #tpu.memory_space<hbm>>
        tpu.enqueue_indirect_dma source(%dma_start3A_105 : memref<1000000x32xf32, #tpu.memory_space<hbm>>) target(%arg6 : memref<640x32xf32, #tpu.memory_space<vmem>>) offsets(%dma_start3A_102 : memref<640xi32, #tpu.memory_space<vmem>>) semaphore(%arg10 : memref<!tpu.dma_semaphore, #tpu.memory_space<semaphore_mem>>)
      } else {
      }
      %mul3A_43 = arith.constant 4 : i32
      %mul3A_44 = arith.muli %scan3A_27, %mul3A_43 : i32
      %add3A_45 = arith.constant 1 : i32
      %add3A_46 = arith.addi %mul3A_44, %add3A_45 : i32
      %dma_wait3A_47 = arith.constant 0 : i32
      %dma_wait3A_48 = tpu.memref_slice %arg5[%dma_wait3A_47] : memref<25600xi32, #tpu.memory_space<vmem>> -> memref<640xi32, #tpu.memory_space<vmem>>
      %dma_wait3A_49 = arith.constant 0 : i32
      %dma_wait3A_50 = arith.constant 0 : i32
      %dma_wait3A_51 = tpu.memref_slice %arg2[%dma_wait3A_49, %dma_wait3A_50] : memref<1000000x32xf32, #tpu.memory_space<hbm>> -> memref<1000000x32xf32, #tpu.memory_space<hbm>>
      tpu.wait_indirect_dma semaphore(%arg11 : memref<!tpu.dma_semaphore, #tpu.memory_space<semaphore_mem>>) src(%dma_wait3A_51 : memref<1000000x32xf32, #tpu.memory_space<hbm>>) dst(%arg7 : memref<640x32xf32, #tpu.memory_space<vmem>>)
      %mul3A_52 = arith.constant 640 : i32
      %mul3A_53 = arith.muli %add3A_46, %mul3A_52 : i32
      %add3A_54 = arith.addi %mul3A_2, %mul3A_53 : i32
      "tpu.region"() ({
        %run_scoped3A = tpu.sem_alloc : memref<!tpu.dma_semaphore, #tpu.memory_space<semaphore_mem>>
        %dma_start3A_100 = arith.constant 0 : i32
        %dma_start3A_101 = tpu.memref_slice %arg4[%add3A_54, %dma_start3A_100] : memref<819200x128xf32, #tpu.memory_space<hbm>> -> memref<640x32xf32, #tpu.memory_space<hbm>>
        %dma_start3A_102 = arith.constant 0 : i32
        %dma_start3A_103 = tpu.memref_slice %arg4[%add3A_54, %dma_start3A_102] : memref<819200x128xf32, #tpu.memory_space<hbm>> -> memref<640x32xf32, #tpu.memory_space<hbm>>
        tpu.enqueue_dma source(%arg7 : memref<640x32xf32, #tpu.memory_space<vmem>>) target(%dma_start3A_103 : memref<640x32xf32, #tpu.memory_space<hbm>>) target_semaphore(%run_scoped3A : memref<!tpu.dma_semaphore, #tpu.memory_space<semaphore_mem>>)
        %dma_wait3A_104 = arith.constant 0 : i32
        %dma_wait3A_105 = tpu.memref_slice %arg4[%add3A_54, %dma_wait3A_104] : memref<819200x128xf32, #tpu.memory_space<hbm>> -> memref<640x32xf32, #tpu.memory_space<hbm>>
        %dma_wait3A_106 = arith.constant 0 : i32
        %dma_wait3A_107 = tpu.memref_slice %arg4[%add3A_54, %dma_wait3A_106] : memref<819200x128xf32, #tpu.memory_space<hbm>> -> memref<640x32xf32, #tpu.memory_space<hbm>>
        tpu.wait_dma2 semaphore(%run_scoped3A : memref<!tpu.dma_semaphore, #tpu.memory_space<semaphore_mem>>) src(%arg7 : memref<640x32xf32, #tpu.memory_space<vmem>>) dst(%dma_wait3A_107 : memref<640x32xf32, #tpu.memory_space<hbm>>)
        tpu.yield
      }) : () -> ()
      %add3A_55 = arith.constant 4 : i32
      %add3A_56 = arith.addi %add3A_46, %add3A_55 : i32
      %lt3A_57 = arith.constant 40 : i32
      %lt3A_58 = arith.cmpi slt, %add3A_56, %lt3A_57 : i32
      %convert_element_type3A_59 = arith.extui %lt3A_58 : i1 to i32
      %cond3A_60 = arith.constant 0 : i32
      %cond3A_61 = arith.cmpi ne, %convert_element_type3A_59, %cond3A_60 : i32
      scf.if %cond3A_61 {
        %mul3A_100 = arith.constant 640 : i32
        %mul3A_101 = arith.muli %add3A_56, %mul3A_100 : i32
        %dma_start3A_102 = tpu.memref_slice %arg5[%mul3A_101] : memref<25600xi32, #tpu.memory_space<vmem>> -> memref<640xi32, #tpu.memory_space<vmem>>
        %dma_start3A_103 = arith.constant 0 : i32
        %dma_start3A_104 = arith.constant 0 : i32
        %dma_start3A_105 = tpu.memref_slice %arg2[%dma_start3A_103, %dma_start3A_104] : memref<1000000x32xf32, #tpu.memory_space<hbm>> -> memref<1000000x32xf32, #tpu.memory_space<hbm>>
        tpu.enqueue_indirect_dma source(%dma_start3A_105 : memref<1000000x32xf32, #tpu.memory_space<hbm>>) target(%arg7 : memref<640x32xf32, #tpu.memory_space<vmem>>) offsets(%dma_start3A_102 : memref<640xi32, #tpu.memory_space<vmem>>) semaphore(%arg11 : memref<!tpu.dma_semaphore, #tpu.memory_space<semaphore_mem>>)
      } else {
      }
      %mul3A_62 = arith.constant 4 : i32
      %mul3A_63 = arith.muli %scan3A_27, %mul3A_62 : i32
      %add3A_64 = arith.constant 2 : i32
      %add3A_65 = arith.addi %mul3A_63, %add3A_64 : i32
      %dma_wait3A_66 = arith.constant 0 : i32
      %dma_wait3A_67 = tpu.memref_slice %arg5[%dma_wait3A_66] : memref<25600xi32, #tpu.memory_space<vmem>> -> memref<640xi32, #tpu.memory_space<vmem>>
      %dma_wait3A_68 = arith.constant 0 : i32
      %dma_wait3A_69 = arith.constant 0 : i32
      %dma_wait3A_70 = tpu.memref_slice %arg2[%dma_wait3A_68, %dma_wait3A_69] : memref<1000000x32xf32, #tpu.memory_space<hbm>> -> memref<1000000x32xf32, #tpu.memory_space<hbm>>
      tpu.wait_indirect_dma semaphore(%arg12 : memref<!tpu.dma_semaphore, #tpu.memory_space<semaphore_mem>>) src(%dma_wait3A_70 : memref<1000000x32xf32, #tpu.memory_space<hbm>>) dst(%arg8 : memref<640x32xf32, #tpu.memory_space<vmem>>)
      %mul3A_71 = arith.constant 640 : i32
      %mul3A_72 = arith.muli %add3A_65, %mul3A_71 : i32
      %add3A_73 = arith.addi %mul3A_2, %mul3A_72 : i32
      "tpu.region"() ({
        %run_scoped3A = tpu.sem_alloc : memref<!tpu.dma_semaphore, #tpu.memory_space<semaphore_mem>>
        %dma_start3A_100 = arith.constant 0 : i32
        %dma_start3A_101 = tpu.memref_slice %arg4[%add3A_73, %dma_start3A_100] : memref<819200x128xf32, #tpu.memory_space<hbm>> -> memref<640x32xf32, #tpu.memory_space<hbm>>
        %dma_start3A_102 = arith.constant 0 : i32
        %dma_start3A_103 = tpu.memref_slice %arg4[%add3A_73, %dma_start3A_102] : memref<819200x128xf32, #tpu.memory_space<hbm>> -> memref<640x32xf32, #tpu.memory_space<hbm>>
        tpu.enqueue_dma source(%arg8 : memref<640x32xf32, #tpu.memory_space<vmem>>) target(%dma_start3A_103 : memref<640x32xf32, #tpu.memory_space<hbm>>) target_semaphore(%run_scoped3A : memref<!tpu.dma_semaphore, #tpu.memory_space<semaphore_mem>>)
        %dma_wait3A_104 = arith.constant 0 : i32
        %dma_wait3A_105 = tpu.memref_slice %arg4[%add3A_73, %dma_wait3A_104] : memref<819200x128xf32, #tpu.memory_space<hbm>> -> memref<640x32xf32, #tpu.memory_space<hbm>>
        %dma_wait3A_106 = arith.constant 0 : i32
        %dma_wait3A_107 = tpu.memref_slice %arg4[%add3A_73, %dma_wait3A_106] : memref<819200x128xf32, #tpu.memory_space<hbm>> -> memref<640x32xf32, #tpu.memory_space<hbm>>
        tpu.wait_dma2 semaphore(%run_scoped3A : memref<!tpu.dma_semaphore, #tpu.memory_space<semaphore_mem>>) src(%arg8 : memref<640x32xf32, #tpu.memory_space<vmem>>) dst(%dma_wait3A_107 : memref<640x32xf32, #tpu.memory_space<hbm>>)
        tpu.yield
      }) : () -> ()
      %add3A_74 = arith.constant 4 : i32
      %add3A_75 = arith.addi %add3A_65, %add3A_74 : i32
      %lt3A_76 = arith.constant 40 : i32
      %lt3A_77 = arith.cmpi slt, %add3A_75, %lt3A_76 : i32
      %convert_element_type3A_78 = arith.extui %lt3A_77 : i1 to i32
      %cond3A_79 = arith.constant 0 : i32
      %cond3A_80 = arith.cmpi ne, %convert_element_type3A_78, %cond3A_79 : i32
      scf.if %cond3A_80 {
        %mul3A_100 = arith.constant 640 : i32
        %mul3A_101 = arith.muli %add3A_75, %mul3A_100 : i32
        %dma_start3A_102 = tpu.memref_slice %arg5[%mul3A_101] : memref<25600xi32, #tpu.memory_space<vmem>> -> memref<640xi32, #tpu.memory_space<vmem>>
        %dma_start3A_103 = arith.constant 0 : i32
        %dma_start3A_104 = arith.constant 0 : i32
        %dma_start3A_105 = tpu.memref_slice %arg2[%dma_start3A_103, %dma_start3A_104] : memref<1000000x32xf32, #tpu.memory_space<hbm>> -> memref<1000000x32xf32, #tpu.memory_space<hbm>>
        tpu.enqueue_indirect_dma source(%dma_start3A_105 : memref<1000000x32xf32, #tpu.memory_space<hbm>>) target(%arg8 : memref<640x32xf32, #tpu.memory_space<vmem>>) offsets(%dma_start3A_102 : memref<640xi32, #tpu.memory_space<vmem>>) semaphore(%arg12 : memref<!tpu.dma_semaphore, #tpu.memory_space<semaphore_mem>>)
      } else {
      }
      %mul3A_81 = arith.constant 4 : i32
      %mul3A_82 = arith.muli %scan3A_27, %mul3A_81 : i32
      %add3A_83 = arith.constant 3 : i32
      %add3A_84 = arith.addi %mul3A_82, %add3A_83 : i32
      %dma_wait3A_85 = arith.constant 0 : i32
      %dma_wait3A_86 = tpu.memref_slice %arg5[%dma_wait3A_85] : memref<25600xi32, #tpu.memory_space<vmem>> -> memref<640xi32, #tpu.memory_space<vmem>>
      %dma_wait3A_87 = arith.constant 0 : i32
      %dma_wait3A_88 = arith.constant 0 : i32
      %dma_wait3A_89 = tpu.memref_slice %arg2[%dma_wait3A_87, %dma_wait3A_88] : memref<1000000x32xf32, #tpu.memory_space<hbm>> -> memref<1000000x32xf32, #tpu.memory_space<hbm>>
      tpu.wait_indirect_dma semaphore(%arg13 : memref<!tpu.dma_semaphore, #tpu.memory_space<semaphore_mem>>) src(%dma_wait3A_89 : memref<1000000x32xf32, #tpu.memory_space<hbm>>) dst(%arg9 : memref<640x32xf32, #tpu.memory_space<vmem>>)
      %mul3A_90 = arith.constant 640 : i32
      %mul3A_91 = arith.muli %add3A_84, %mul3A_90 : i32
      %add3A_92 = arith.addi %mul3A_2, %mul3A_91 : i32
      "tpu.region"() ({
        %run_scoped3A = tpu.sem_alloc : memref<!tpu.dma_semaphore, #tpu.memory_space<semaphore_mem>>
        %dma_start3A_100 = arith.constant 0 : i32
        %dma_start3A_101 = tpu.memref_slice %arg4[%add3A_92, %dma_start3A_100] : memref<819200x128xf32, #tpu.memory_space<hbm>> -> memref<640x32xf32, #tpu.memory_space<hbm>>
        %dma_start3A_102 = arith.constant 0 : i32
        %dma_start3A_103 = tpu.memref_slice %arg4[%add3A_92, %dma_start3A_102] : memref<819200x128xf32, #tpu.memory_space<hbm>> -> memref<640x32xf32, #tpu.memory_space<hbm>>
        tpu.enqueue_dma source(%arg9 : memref<640x32xf32, #tpu.memory_space<vmem>>) target(%dma_start3A_103 : memref<640x32xf32, #tpu.memory_space<hbm>>) target_semaphore(%run_scoped3A : memref<!tpu.dma_semaphore, #tpu.memory_space<semaphore_mem>>)
        %dma_wait3A_104 = arith.constant 0 : i32
        %dma_wait3A_105 = tpu.memref_slice %arg4[%add3A_92, %dma_wait3A_104] : memref<819200x128xf32, #tpu.memory_space<hbm>> -> memref<640x32xf32, #tpu.memory_space<hbm>>
        %dma_wait3A_106 = arith.constant 0 : i32
        %dma_wait3A_107 = tpu.memref_slice %arg4[%add3A_92, %dma_wait3A_106] : memref<819200x128xf32, #tpu.memory_space<hbm>> -> memref<640x32xf32, #tpu.memory_space<hbm>>
        tpu.wait_dma2 semaphore(%run_scoped3A : memref<!tpu.dma_semaphore, #tpu.memory_space<semaphore_mem>>) src(%arg9 : memref<640x32xf32, #tpu.memory_space<vmem>>) dst(%dma_wait3A_107 : memref<640x32xf32, #tpu.memory_space<hbm>>)
        tpu.yield
      }) : () -> ()
      %add3A_93 = arith.constant 4 : i32
      %add3A_94 = arith.addi %add3A_84, %add3A_93 : i32
      %lt3A_95 = arith.constant 40 : i32
      %lt3A_96 = arith.cmpi slt, %add3A_94, %lt3A_95 : i32
      %convert_element_type3A_97 = arith.extui %lt3A_96 : i1 to i32
      %cond3A_98 = arith.constant 0 : i32
      %cond3A_99 = arith.cmpi ne, %convert_element_type3A_97, %cond3A_98 : i32
      scf.if %cond3A_99 {
        %mul3A_100 = arith.constant 640 : i32
        %mul3A_101 = arith.muli %add3A_94, %mul3A_100 : i32
        %dma_start3A_102 = tpu.memref_slice %arg5[%mul3A_101] : memref<25600xi32, #tpu.memory_space<vmem>> -> memref<640xi32, #tpu.memory_space<vmem>>
        %dma_start3A_103 = arith.constant 0 : i32
        %dma_start3A_104 = arith.constant 0 : i32
        %dma_start3A_105 = tpu.memref_slice %arg2[%dma_start3A_103, %dma_start3A_104] : memref<1000000x32xf32, #tpu.memory_space<hbm>> -> memref<1000000x32xf32, #tpu.memory_space<hbm>>
        tpu.enqueue_indirect_dma source(%dma_start3A_105 : memref<1000000x32xf32, #tpu.memory_space<hbm>>) target(%arg9 : memref<640x32xf32, #tpu.memory_space<vmem>>) offsets(%dma_start3A_102 : memref<640xi32, #tpu.memory_space<vmem>>) semaphore(%arg13 : memref<!tpu.dma_semaphore, #tpu.memory_space<semaphore_mem>>)
      } else {
      }
    }
    %scan3A_26 = arith.constant 10 : i32
    return
  }
}

module attributes {stable_mosaic.version = 14 : i64} {
  func.func @_decode_body(%arg0: i32, %arg1: memref<6400x128xf32, #tpu.memory_space<vmem>>, %arg2: memref<128x32xf32, #tpu.memory_space<vmem>>, %arg3: memref<1x32xf32, #tpu.memory_space<vmem>>, %arg4: memref<128x50x32xf32, #tpu.memory_space<vmem>>) attributes {dimension_semantics = [#tpu.dimension_semantics<arbitrary>], iteration_bounds = array<i64: 128>, scalar_prefetch = 0 : i64, scratch_operands = 0 : i64, tpu.core_type = #tpu.core_type<tc>, window_params = [{transform_indices = @transform_0, window_bounds = array<i64: 6400, 128>}, {pipeline_mode = #tpu.pipeline_mode<synchronous>, transform_indices = @transform_1, window_bounds = array<i64: 128, 32>}, {pipeline_mode = #tpu.pipeline_mode<synchronous>, transform_indices = @transform_2, window_bounds = array<i64: 1, 32>}, {transform_indices = @transform_3, window_bounds = array<i64: 128, 50, 32>}]} {
    %get3A = arith.constant 0 : index
    %get3A_0 = arith.constant 0 : index
    %get3A_1 = vector.load %arg1[%get3A, %get3A_0] : memref<6400x128xf32, #tpu.memory_space<vmem>>, vector<6400x128xf32>
    %iota3A = tpu.iota {dimensions = array<i32: 1>} : vector<6400x128xi32>
    %lt3A = arith.constant 32 : i32
    %lt3A_2 = vector.broadcast %lt3A : i32 to vector<6400x128xi32>
    %lt3A_3 = arith.cmpi slt, %iota3A, %lt3A_2 : vector<6400x128xi32>
    %jit3A = arith.constant 0.000000e+00 : f32
    %broadcast_in_dim3A = vector.broadcast %jit3A : f32 to vector<6400x128xf32>
    %select_n3A = arith.select %lt3A_3, %get3A_1, %broadcast_in_dim3A : vector<6400x128xi1>, vector<6400x128xf32>
    %get3A_4 = arith.constant 0 : index
    %get3A_5 = arith.constant 0 : index
    %get3A_6 = vector.load %arg2[%get3A_4, %get3A_5] : memref<128x32xf32, #tpu.memory_space<vmem>>, vector<128x32xf32>
    %dot_general3A = arith.constant dense<0.000000e+00> : vector<6400x32xf32>
    %dot_general3A_7 = tpu.matmul %select_n3A, %get3A_6, %dot_general3A {dimension_numbers = #tpu.dot_dimension_numbers<[1], [0], [0], [1], [0, 0, 1, 1], [], []>, transpose_lhs_hint = false} : vector<6400x128xf32>, vector<128x32xf32>, vector<6400x32xf32> -> vector<6400x32xf32>
    %get3A_8 = arith.constant 0 : index
    %get3A_9 = arith.constant 0 : index
    %get3A_10 = vector.load %arg3[%get3A_8, %get3A_9] : memref<1x32xf32, #tpu.memory_space<vmem>>, vector<1x32xf32>
    %add3A = vector.broadcast %get3A_10 : vector<1x32xf32> to vector<6400x32xf32>
    %add3A_11 = arith.addf %dot_general3A_7, %add3A : vector<6400x32xf32>
    %reshape3A = vector.shape_cast %add3A_11 : vector<6400x32xf32> to vector<128x50x32xf32>
    %swap3A = arith.constant 0 : index
    %swap3A_12 = arith.constant 0 : index
    %swap3A_13 = arith.constant 0 : index
    %swap3A_14 = vector.load %arg4[%swap3A, %swap3A_12, %swap3A_13] : memref<128x50x32xf32, #tpu.memory_space<vmem>>, vector<128x50x32xf32>
    tpu.vector_store %arg4[%swap3A, %swap3A_12, %swap3A_13], %reshape3A {strides = array<i32>} : memref<128x50x32xf32, #tpu.memory_space<vmem>>, vector<128x50x32xf32>,
    return
  }
  func.func @transform_0(%arg0: i32) -> (i32, i32) {
    %c0_i32 = arith.constant 0 : i32
    %c0_i32_0 = arith.constant 0 : i32
    return %arg0, %c0_i32 : i32, i32
  }
  func.func @transform_1(%arg0: i32) -> (i32, i32) {
    %c0_i32 = arith.constant 0 : i32
    %c0_i32_0 = arith.constant 0 : i32
    %c0_i32_1 = arith.constant 0 : i32
    return %c0_i32, %c0_i32_0 : i32, i32
  }
  func.func @transform_2(%arg0: i32) -> (i32, i32) {
    %c0_i32 = arith.constant 0 : i32
    %c0_i32_0 = arith.constant 0 : i32
    %c0_i32_1 = arith.constant 0 : i32
    return %c0_i32, %c0_i32_0 : i32, i32
  }
  func.func @transform_3(%arg0: i32) -> (i32, i32, i32) {
    %c0_i32 = arith.constant 0 : i32
    %c0_i32_0 = arith.constant 0 : i32
    %c0_i32_1 = arith.constant 0 : i32
    return %arg0, %c0_i32, %c0_i32_0 : i32, i32, i32
  }
}

</mosaic_0001>

<sc_bundles>
// kernel: kernel.4.cloned.1.call-start
scs
__scs_entry_jumppad:
0x0: {  	(pc) =	sbr.rel $0x88, $3  }
0x1: {  	(tag) =	ssettag $0x0;
	lr =	simm.s32 $0x1  }
0x2: {  	[smem:$0x3F9D] =	sst lr;
	_ =	strace $0xD0000000  }
0x3: {  	_ = 	snop  }
0x4: {  	_ = 	snop  }
0x5: {  	_ = 	snop  }
0x6: {  	_ = 	snop  }
0x7: {  	_ = 	snop  }
__scs_overlays_trampoline_lowered:
0x8: {  	[smem:$0x3FAC] =	sst s0  }
0x9: {  	[smem:$0x3FAD] =	sst s1  }
0xa: {  	[smem:$0x3FAE] =	sst s2  }
0xb: {  	[smem:$0x3FAF] =	sst s3  }
0xc: {  	[smem:$0x3FB0] =	sst s4  }
0xd: {  	[smem:$0x3FB1] =	sst s5  }
0xe: {  	[smem:$0x3FB2] =	sst s6  }
0xf: {  	[smem:$0x3FB3] =	sst s7  }
0x10: {  	[smem:$0x3FB4] =	sst s8  }
0x11: {  	[smem:$0x3FB5] =	sst s9;
	s0 =	simm.s32 @!p0 $0x0  }
0x12: {  	s1 =	sld [smem:$0x3F9B];
	s0 =	simm.s32 @p0 $0x1  }
0x13: {  	[smem:$0x3FB6] =	sst s0;
	s0 =	simm.s32 @!p1 $0x0  }
0x14: {  	s2 =	sld [smem:$0x3F9A];
	s0 =	simm.s32 @p1 $0x1  }
0x15: {  	[smem:$0x3FB7] =	sst s0;
	s0 =	simm.s32 @!p2 $0x0  }
0x16: {  	s3 =	sld [smem:$0x3FDB];
	s0 =	simm.s32 @p2 $0x1  }
0x17: {  	s4 =	simm.s32 $0x1BF5;
	[smem:$0x3FB9] =	sst s0  }
0x18: {  	s0 =	sld [smem:$0x3F9C];
	_ =	swait.ge [sflag:s4], $0x0  }
0x19: {  	s7 =	sld [smem:$0x3F9D]  }
0x1a: {  	s8 =	sadd.s32 $0xFFFFE003, lr  }
0x1b: {  	s9 =	sadd.s32 $0xFFFFFEF7, lr;
	s5 =	simm.s32 $0xFFFFFFFF;
	p2 =	slt.u32 s8, $0xFFFFF086  }
0x1c: {  	p1 =	slt.u32 s9, $0xF7A;
	s5 =	simm.s32 @!p2 $0x0  }
0x1d: {  	s5 =	simm.s32 @p1 $0x1;
	p0 =	seq.s32 s7, s2  }
0x1e: {  	s7 =	smul.u32 @!p0 $0xF7A, s2;
	p2 =	seq.s32 @!p0 s5, $0x0  }
0x1f: {  	s9 =	smul.u32 $0xF7A, s1;
	s8 =	simm.s32 @!p0 $0x1BF5;
	p2 =	por !p2, p0  }
0x20: {  	[sflag:s8] =	ssyncset.s32 @!p0 $0xFFFFF086;
	s6 =	sadd.s32 @!p0 s3, s7;
	s7 =	simm.s32 @!p0 $0x108  }
0x21: {  	s3 =	sadd.s32 s3, s9;
	s6 =	sadd.s32 @!p0 $0x88, s6;
	s7 =	simm.s32 @p2 $0x1082  }
0x22: {  	[simem:s7], [sflag:s8] =	dma.local @!p0 [hbm:s6], $0xF7A  }
0x23: {  	s9 =	sor.u32 $0xD0000000, s2;
	s6 =	simm.s32 $0x108;
	_ =	swait.ge @!p0 [sflag:s8], $0x0  }
0x24: {  	s3 =	sadd.s32 $0x88, s3;
	s6 =	simm.s32 @!p1 $0x1082;
	[sflag:s4] =	ssyncset.s32 $0xFFFFF086  }
0x25: {  	[simem:s6], [sflag:s4] =	dma.local [hbm:s3], $0xF7A  }
0x26: {  	[smem:$0x3F9D] =	sst s1;
	(tag) =	ssettag s2;
	_ =	strace s9  }
0x27: {  	s1 =	sld [smem:$0x3FAD]  }
0x28: {  	s2 =	sld [smem:$0x3FAE]  }
0x29: {  	s4 =	sld [smem:$0x3FB0]  }
0x2a: {  	p0 =	seq.s32 s5, $0x0;
	s5 =	sld [smem:$0x3FB1]  }
0x2b: {  	s6 =	sld [smem:$0x3FB2]  }
0x2c: {  	s7 =	sld [smem:$0x3FB3]  }
0x2d: {  	s3 =	simm.s32 $0x108;
	s8 =	sld [smem:$0x3FB4]  }
0x2e: {  	s3 =	simm.s32 @!p0 $0x1082;
	s9 =	sld [smem:$0x3FB5]  }
0x2f: {  	lr =	sadd.s32 s0, s3;
	s0 =	sld [smem:$0x3FAC]  }
0x30: {  	s3 =	sld [smem:$0x3FAF]  }
0x31: {  	[smem:$0x3FB8] =	sst s10  }
0x32: {  	s10 =	sld [smem:$0x3FB6];
	_ =	sdelay $0x3  }
0x33: {  	p0 =	seq.s32 s10, $0x1;
	s10 =	sld [smem:$0x3FB8];
	_ =	sdelay $0x3  }
0x34: {  	[smem:$0x3FB8] =	sst s10  }
0x35: {  	s10 =	sld [smem:$0x3FB7];
	_ =	sdelay $0x3  }
0x36: {  	p1 =	seq.s32 s10, $0x1;
	s10 =	sld [smem:$0x3FB8];
	_ =	sdelay $0x3  }
0x37: {  	[smem:$0x3FB8] =	sst s10  }
0x38: {  	s10 =	sld [smem:$0x3FB9]  }
0x39: {  	_ = 	snop;
	(pc) =	sbr.ind lr, $3  }
0x3a: {  	_ = 	snop  }
0x3b: {  	_ = 	snop  }
0x3c: {  	p2 =	seq.s32 s10, $0x1;
	s10 =	sld [smem:$0x3FB8]  }
0x3d: {  	_ =	shalt  }
0x3e: {  	_ =	shalt  }
0x3f: {  	_ =	shalt  }
0x40: {  	_ =	shalt  }
0x41: {  	_ =	shalt  }
0x42: {  	_ =	shalt  }
0x43: {  	_ =	shalt  }
0x44: {  	_ =	shalt  }
0x45: {  	_ =	shalt  }
0x46: {  	_ =	shalt  }
0x47: {  	_ =	shalt  }
0x48: {  	_ =	shalt  }
0x49: {  	_ =	shalt  }
0x4a: {  	_ =	shalt  }
0x4b: {  	_ =	shalt  }
0x4c: {  	_ =	shalt  }
0x4d: {  	_ =	shalt  }
0x4e: {  	_ =	shalt  }
0x4f: {  	_ =	shalt  }
0x50: {  	_ =	shalt  }
0x51: {  	_ =	shalt  }
0x52: {  	_ =	shalt  }
0x53: {  	_ =	shalt  }
0x54: {  	_ =	shalt  }
0x55: {  	_ =	shalt  }
0x56: {  	_ =	shalt  }
0x57: {  	_ =	shalt  }
0x58: {  	_ =	shalt  }
0x59: {  	_ =	shalt  }
0x5a: {  	_ =	shalt  }
0x5b: {  	_ =	shalt  }
0x5c: {  	_ =	shalt  }
0x5d: {  	_ =	shalt  }
0x5e: {  	_ =	shalt  }
0x5f: {  	_ =	shalt  }
0x60: {  	_ =	shalt  }
0x61: {  	_ =	shalt  }
0x62: {  	_ =	shalt  }
0x63: {  	_ =	shalt  }
0x64: {  	_ =	shalt  }
0x65: {  	_ =	shalt  }
0x66: {  	_ =	shalt  }
0x67: {  	_ =	shalt  }
0x68: {  	_ =	shalt  }
0x69: {  	_ =	shalt  }
0x6a: {  	_ =	shalt  }
0x6b: {  	_ =	shalt  }
0x6c: {  	_ =	shalt  }
0x6d: {  	_ =	shalt  }
0x6e: {  	_ =	shalt  }
0x6f: {  	_ =	shalt  }
0x70: {  	_ =	shalt  }
0x71: {  	_ =	shalt  }
0x72: {  	_ =	shalt  }
0x73: {  	_ =	shalt  }
0x74: {  	_ =	shalt  }
0x75: {  	_ =	shalt  }
0x76: {  	_ =	shalt  }
0x77: {  	_ =	shalt  }
0x78: {  	_ =	shalt  }
0x79: {  	_ =	shalt  }
0x7a: {  	_ =	shalt  }
0x7b: {  	_ =	shalt  }
0x7c: {  	_ =	shalt  }
0x7d: {  	_ =	shalt  }
0x7e: {  	_ =	shalt  }
0x7f: {  	_ =	shalt  }
0x80: {  	_ =	shalt  }
0x81: {  	_ =	shalt  }
0x82: {  	_ =	shalt  }
0x83: {  	_ =	shalt  }
0x84: {  	_ =	shalt  }
0x85: {  	_ =	shalt  }
0x86: {  	_ =	shalt  }
0x87: {  	_ =	shalt  }
.Lfunc_end0:
.L_simem_size_0:
called_computation_lowered:
.L_overlay_start_0:
0x88: {  	s2 =	sld [smem:$0x3FD9]  }
0x89: {  	s3 =	sld [smem:$0x3FFE];
	_ =	sdelay $0x1  }
0x8a: {  	s1 =	srdreg.scid  }
0x8b: {  	s0 =	sand.u32 $0x1, s1  }
0x8c: {  	s17 =	sshll.u32 s0, $0xA;
	s2 =	sadd.s32 s3, s2  }
0x8d: {  	s2 =	sadd.s32 s2, s17  }
0x8e: {  	[smem:$0x3FC4] =	sst s2  }
0x8f: {  	_ = 	snop  }
0x90: {  	s2 =	sld [smem:$0x3FD0];
	(tm) =	ssettm $0x1  }
0x91: {  	s18 =	sld [smem:$0x3FFB];
	_ =	sdelay $0x3  }
0x92: {  	_ =	strace s18  }
0x93: {  	s3 =	sld [smem:$0x3FFC];
	_ =	sdelay $0x3  }
0x94: {  	_ =	strace s3  }
0x95: {  	s3 =	sld [smem:$0x3FFD];
	_ =	sdelay $0x3  }
0x96: {  	_ =	strace s3  }
0x97: {  	_ =	strace $0x8FFFFFFF  }
0x98: {  	s19 =	sld [smem:$0x3FDB];
	_ =	sdelay $0x1  }
0x99: {  	s4 =	simm.s32 $_scs_section_size  }
0x9a: {  	s5 =	simm.s32 $_size__tile_overlayer_lowered;
	s6 =	simm.s32 $_tile_overlayer_lowered  }
0x9b: {  	s22 =	simm.s32 $0x1BFF;
	s21 =	sshll.u32 s6, $0x1;
	s3 =	sadd.s32 s4, s19  }
0x9c: {  	s7 =	simm.s32 $0x0;
	s20 =	sshll.u32 s5, $0x1;
	s5 =	sadd.s32 s21, s3  }
0x9d: {  	[timem:s7], [sflag:s22] =	dma.local [hbm:s5], s20  }
0x9e: {  	_ =	swait.ge [sflag:s22], s20  }
0x9f: {  	s4 =	ssub.s32 $0x0, s20;
	[sflag:s22] =	ssyncset.done $0x0  }
0xa0: {  	[sflag:s22] =	ssyncadd.s32 s4;
	_ =	sdelay $0x1  }
0xa1: {  	s23 =	simm.s32 $0x1B8B  }
0xa2: {  	_ =	swait.ge [sflag:s23], $0x1  }
0xa3: {  	[sflag:s23] =	ssyncset.done $0x0  }
0xa4: {  	s25 =	simm.s32 $0x1B8E;
	s24 =	sld [smem:$0x3FFE];
	[sflag:s23] =	ssyncadd.s32 $0xFFFFFFFF  }
0xa5: {  	s26 =	simm.s32 $execute0_lowered;
	[smem:$0x3FD2] =	sst s25  }
0xa6: {  	s5 =	sshll.u32 s26, $0x1;
	_ =	strace $0x80000046;
	[dreg:$0x1] =	wrdreg $0xFFFFFFFF  }
0xa7: {  	s28 =	simm.s32 $_size_execute0_lowered;
	s3 =	sadd.s32 s3, s5;
	[dreg:$0x0] =	wrdreg $0x0  }
0xa8: {  	s5 =	sshll.u32 s28, $0x1;
	[dreg:$0x2] =	wrdreg s3  }
0xa9: {  	[dreg:$0x3] =	wrdreg s5  }
0xaa: {  	[dreg:$0x4] =	wrdreg $0xC0  }
0xab: {  	_ =	task [dreg:s7], $0x5FFFF  }
0xac: {  	[dreg:$0x1] =	wrdreg $0xFFFFFFFF  }
0xad: {  	[dreg:$0x0] =	wrdreg $0x60  }
0xae: {  	[dreg:$0x2] =	wrdreg s24  }
0xaf: {  	[dreg:$0x3] =	wrdreg s2  }
0xb0: {  	[dreg:$0x4] =	wrdreg $0x9  }
0xb1: {  	_ =	task.clear_ibuf [dreg:s7], $0x5FFFF;
	_ =	strace $0x90000046  }
0xb2: {  	s29 =	simm.s32 $0x9;
	_ =	strace $0x80000048  }
0xb3: {  	_ =	swait.ge [sflag:s29], $0x1  }
0xb4: {  	[sflag:s29] =	ssyncadd.s32 $0xFFFFFFFF  }
0xb5: {  	_ =	strace $0x90000048  }
0xb6: {  	_ =	sfence  }
0xb7: {  	s30 =	sld [smem:$0x0];
	_ =	sdelay $0x2  }
0xb8: {  	s31 =	sshll.u32 s1, $0xD;
	s1 =	sshrl.u32 s1, $0x2  }
0xb9: {  	s3 =	sand.u32 $0x4000, s31;
	s1 =	sadd.s32 s1, s30  }
0xba: {  	s0 =	sor.u32 s3, s0;
	s1 =	sshll.u32 s1, $0x11  }
0xbb: {  	s0 =	sor.u32 s1, s0  }
0xbc: {  	s0 =	sadd.s32 $0x8F2B, s0  }
0xbd: {  	[sflag:s0] =	ssyncadd.remote.s32 $0x1  }
0xbe: {  	_ =	sfence.sel $0xFFFF  }
0xbf: {  	[dreg:$0x0] =	wrdreg $0xFFFFFFFF;
	(pc) =	sbr.abs _section_cstart, $3  }
0xc0: {  	[dreg:$0x1] =	wrdreg $0xFFFFFFFF  }
0xc1: {  	_ =	task.clear_ibuf [dreg:s7], $0x2FFFF;
	_ =	strace $0x9FFFFFFF  }
0xc2: {  	(tm) =	ssettm $0x7FFFFFFF  }
0xc3: {  	_ =	shalt  }
tec
execute0_lowered:
.L_overlay_start_1:
0x0: {  	(tag) =	ssettag $0x1  }
0x1: {  	s4 =	rddreg [dreg:$0x0]  }
0x2: {  	s5 =	rddreg [dreg:$0x1];
	s2 =	simm.s32 $0x0;
	s3 =	srdreg.scid  }
0x3: {  	s0 =	stileid.u32;
	s13 =	simm.s32 $0xB400;
	s15 =	simm.s32 $0x10400  }
0x4: {  	s16 =	simm.s32 $0x780;
	s17 =	simm.s32 $0x15400;
	s18 =	simm.s32 $0x1  }
0x5: {  	s19 =	simm.s32 $0x20;
	s20 =	simm.s32 $0x80;
	s21 =	simm.s32 $0x2  }
0x6: {  	s22 =	simm.s32 $0x3;
	s23 =	simm.s32 $0x4;
	s24 =	simm.s32 $0x0  }
0x7: {  	[smem:$0x7FF] =	sst s2;
	s6 =	sand.u32 $0x1, s3;
	s7 =	smul.u32 $0xC800, s0  }
0x8: {  	s25 =	sshll.u32 s0, $0x1;
	s3 =	sadd.s32 $0xF42C00, s4;
	s30 =	smul.u32 $0xC8000, s0  }
0x9: {  	s12 =	sadd.s32 $0x800, s4;
	s8 =	ssub.s32 $0x2, s6;
	s10 =	smul.u32 $0x6400, s6  }
0xa: {  	s9 =	sor.u32 s6, s25;
	s31 =	smul.u32 $0x64000, s6;
	s11 =	sshrl.u32 s8, $0x1  }
0xb: {  	_ =	strace $0x80000047;
	s9 =	smul.u32 $0x6400, s9;
	s8 =	ssub.s32 s8, s11  }
.Ltmp0:
0xc: {  	s26 =	sadd.s32 s10, s7;
	s10 =	sadd.s32 s30, s12;
	(pc) =	sbr.rel .LBB2_1-.Ltmp0, $4  }
0xd: {  	s11 =	simm.s32 $0x280;
	s28 =	sshrl.u32 s9, $0x3;
	s29 =	sshll.u32 s26, $0x4  }
0xe: {  	s4 =	sadd.s32 s5, s28;
	s9 =	sadd.s32 s29, s12;
	s5 =	smax.u32 s8, $0x1  }
0xf: {  	s12 =	simm.s32 $0x6400;
	s6 =	sadd.s32 $0x7800, s9;
	s7 =	sadd.s32 $0x5000, s9  }
0x10: {  	s8 =	sadd.s32 $0x2800, s9;
	s9 =	sadd.s32 s31, s10;
	s10 =	simm.s32 $0x5  }
.LBB2_4:
0x11: {  	s24 =	sadd.s32 $0x1, s24  }
0x12: {  	p0 =	sne.s32 s24, s5  }
.Ltmp1:
0x13: {  	_ = 	snop;
	(pc) =	sbr.rel @!p0 .LBB2_5-.Ltmp1, $1  }
0x14: {  	_ =	sdelay $0x3  }
.LBB2_1:
0x15: {  	[tilespmem:s2], [sflag:$0x5] =	stream.linear.gather [hbm4b:s4+s2], $0x6400, $0x38;
	[tilespmem:$0x1A400] =	vst v63  }
0x16: {  	_ =	swait.ge [sflag:s10], $0x6400  }
0x17: {  	[sflag:s10] =	ssyncset.done $0x0  }
0x18: {  	[sflag:s10] =	ssyncadd.s32 $0xFFFF9C00  }
0x19: {  	[tilespmem:s12], [sflag:$0x1] =	stream.indirect.gather [hbm4b:s3+s11], $0x20, s2, s11, $0xb8;
	[tilespmem:$0x1A400] =	vst v63  }
0x1a: {  	_ = 	snop  }
0x1b: {  	[tilespmem:s13], [sflag:$0x2] =	stream.indirect.gather [hbm4b:s3+s11], $0x20, s11, s11, $0xb8;
	[tilespmem:$0x1A400] =	vst v63  }
0x1c: {  	s0 =	simm.s32 $0x500;
	s25 =	smov.u32 s9;
	s26 =	smov.u32 s8  }
0x1d: {  	[tilespmem:s15], [sflag:$0x3] =	stream.indirect.gather [hbm4b:s3+s11], $0x20, s0, s11, $0xb8;
	[tilespmem:$0x1A400] =	vst v63  }
0x1e: {  	s28 =	smov.u32 s7;
	s29 =	smov.u32 s6;
	s30 =	simm.s32 $0x0  }
0x1f: {  	[tilespmem:s17], [sflag:$0x4] =	stream.indirect.gather [hbm4b:s3+s11], $0x20, s16, s11, $0xb8;
	[tilespmem:$0x1A400] =	vst v63  }
.LBB2_2:
0x20: {  	_ =	swait.ge [sflag:s18], $0x5000  }
0x21: {  	[sflag:s18] =	ssyncset.done $0x0  }
0x22: {  	[sflag:s18] =	ssyncadd.s32 $0xFFFFB000  }
0x23: {  	[hbm4b:s25+s19] =	stream.strided.scatter [tilespmem:s12], [sflag:$0x5], $0x5000, s20, s19, $0x38;
	[tilespmem:$0x1A400] =	vst v63  }
0x24: {  	p0 =	seq.s32 s30, $0x16800;
	_ =	swait.ge [sflag:s10], $0x5000  }
0x25: {  	s31 =	sshra.s32 @!p0 s30, $0x2;
	s1 =	simm.s32 @!p0 $0x280;
	[sflag:s10] =	ssyncset.done $0x0  }
0x26: {  	s14 =	simm.s32 @!p0 $0x6400;
	s0 =	sadd.s32 @!p0 $0xA00, s31;
	[sflag:s10] =	ssyncadd.s32 $0xFFFFB000  }
0x27: {  	[tilespmem:s14], [sflag:$0x1] =	stream.indirect.gather @!p0 [hbm4b:s3+s1], $0x20, s0, s1, $0xb8;
	[tilespmem:$0x1A400] =	vst v63  }
0x28: {  	_ =	swait.ge [sflag:s21], $0x5000  }
0x29: {  	[sflag:s21] =	ssyncset.done $0x0  }
0x2a: {  	[sflag:s21] =	ssyncadd.s32 $0xFFFFB000  }
0x2b: {  	[hbm4b:s26+s19] =	stream.strided.scatter [tilespmem:s13], [sflag:$0x5], $0x5000, s20, s19, $0x38;
	[tilespmem:$0x1A400] =	vst v63  }
0x2c: {  	_ =	swait.ge [sflag:s10], $0x5000  }
0x2d: {  	[sflag:s10] =	ssyncset.done $0x0  }
0x2e: {  	s0 =	sadd.s32 @!p0 $0xC80, s31;
	s14 =	simm.s32 @!p0 $0xB400;
	[sflag:s10] =	ssyncadd.s32 $0xFFFFB000  }
0x2f: {  	[tilespmem:s14], [sflag:$0x2] =	stream.indirect.gather @!p0 [hbm4b:s3+s1], $0x20, s0, s1, $0xb8;
	[tilespmem:$0x1A400] =	vst v63  }
0x30: {  	_ =	swait.ge [sflag:s22], $0x5000  }
0x31: {  	[sflag:s22] =	ssyncset.done $0x0  }
0x32: {  	[sflag:s22] =	ssyncadd.s32 $0xFFFFB000  }
0x33: {  	[hbm4b:s28+s19] =	stream.strided.scatter [tilespmem:s15], [sflag:$0x5], $0x5000, s20, s19, $0x38;
	[tilespmem:$0x1A400] =	vst v63  }
0x34: {  	_ =	swait.ge [sflag:s10], $0x5000  }
0x35: {  	[sflag:s10] =	ssyncset.done $0x0  }
0x36: {  	s0 =	sadd.s32 @!p0 $0xF00, s31;
	s14 =	simm.s32 @!p0 $0x10400;
	[sflag:s10] =	ssyncadd.s32 $0xFFFFB000  }
0x37: {  	[tilespmem:s14], [sflag:$0x3] =	stream.indirect.gather @!p0 [hbm4b:s3+s1], $0x20, s0, s1, $0xb8;
	[tilespmem:$0x1A400] =	vst v63  }
0x38: {  	_ =	swait.ge [sflag:s23], $0x5000  }
0x39: {  	[sflag:s23] =	ssyncset.done $0x0  }
.Ltmp2:
0x3a: {  	[sflag:s23] =	ssyncadd.s32 $0xFFFFB000;
	(pc) =	sbr.rel @p0 .LBB2_4-.Ltmp2, $4  }
0x3b: {  	[hbm4b:s29+s19] =	stream.strided.scatter [tilespmem:s17], [sflag:$0x5], $0x5000, s20, s19, $0x38;
	[tilespmem:$0x1A400] =	vst v63  }
0x3c: {  	_ =	swait.ge [sflag:s10], $0x5000  }
0x3d: {  	[sflag:s10] =	ssyncset.done $0x0  }
0x3e: {  	[sflag:s10] =	ssyncadd.s32 $0xFFFFB000  }
.Ltmp3:
0x3f: {  	(pc) =	sbr.rel .LBB2_2-.Ltmp3, $4  }
0x40: {  	s0 =	sshra.s32 s30, $0x2  }
0x41: {  	s30 =	sadd.s32 $0x2800, s30;
	s29 =	sadd.s32 $0xA000, s29;
	s28 =	sadd.s32 $0xA000, s28  }
0x42: {  	s26 =	sadd.s32 $0xA000, s26;
	s25 =	sadd.s32 $0xA000, s25;
	s0 =	sadd.s32 $0x1180, s0  }
0x43: {  	[tilespmem:s17], [sflag:$0x4] =	stream.indirect.gather [hbm4b:s3+s11], $0x20, s0, s11, $0xb8;
	[tilespmem:$0x1A400] =	vst v63  }
.LBB2_5:
0x44: {  	_ =	sfence.sel $0x180000  }
0x45: {  	[bflag:$0x0] =	sbarrier.arrive $0xFFFF  }
0x46: {  	_ =	strace $0x90000047  }
0x47: {  	s0 =	stileid.u32;
	[bflag:$0x2] =	sbarrier.arrive $0xFFFF  }
0x48: {  	p0 =	sne.s32 s0, $0x0;
	s0 =	rddreg [dreg:$0x2]  }
0x49: {  	s0 =	sadd.s32 @!p0 $0x100000, s0  }
0x4a: {  	[sflag:s0] =	ssyncadd.tile.s32 @!p0 $0x1;
	_ =	shalt  }
.Lfunc_end2:
_tile_overlayer_lowered:
.L_overlay_start_2:
0x4b: {  	(tag) =	ssettag $0x2  }
0x4c: {  	s0 =	rddreg [dreg:$0x0];
	s2 =	stileid.u32  }
0x4d: {  	s1 =	rddreg [dreg:$0x1];
	p0 =	sne.s32 s2, $0x0  }
0x4e: {  	s3 =	rddreg [dreg:$0x2];
	[bflag:$0x3] =	sbarrier.arrive $0xFFFF;
	s2 =	simm.s32 @!p0 $0x1C05  }
0x4f: {  	[timem:s3], [sflag:s2] =	dma.local @!p0 [hbm:s0], s1  }
0x50: {  	s0 =	simm.s32 @!p0 $0x5  }
0x51: {  	_ =	swait.ge @!p0 [sflag:s0], s1  }
0x52: {  	s1 =	ssub.s32 @!p0 $0x0, s1;
	[sflag:s0] =	ssyncset.done @!p0 $0x0  }
0x53: {  	[sflag:s0] =	ssyncadd.s32 @!p0 s1  }
0x54: {  	[bflag:$0x3] =	sbarrier.arrive $0xFFFF  }
0x55: {  	_ =	shalt  }

</sc_bundles>
